<compile_context>
chip_gen: v7x
topology: tpu7x:2x2x1
jax: 0.10.2.dev20260603
libtpu: 0.0.44.dev20260713+nightly
codegen_flags: <defaults>
</compile_context>

<pallas_src>
import functools
import jax
import jax.numpy as jnp
from jax import lax
from jax.experimental import pallas as pl
from jax.experimental.pallas import tpu as pltpu

B = 1024
D_MODEL = 1024
D_MEMORY = 64
NUM_HEADS = 8
BANK_SIZE = 16
MEMORY_SIZE = 1024
TOPK = 2
HD = NUM_HEADS * D_MEMORY
PK = MEMORY_SIZE * D_MEMORY // 128
SUB = 4
NSTREAM = 4
NB = SUB * NSTREAM


def _make_heads_kernel(sel_idx_ref, sel_probs_ref,
                       q_ref, s_ref, Wq_ref, bq_ref, Ws_ref, bs_ref,
                       qh_ref, sh_ref):
    n = pl.program_id(0)
    probs = sel_probs_ref[...]
    psum = jnp.sum(probs, axis=1, keepdims=True) + 1e-9
    pnorm = probs / psum
    sel = sel_idx_ref[...]
    cn = jnp.sum(jnp.where(sel == n, pnorm, 0.0), axis=1, keepdims=True)

    pq = jnp.dot(q_ref[...], Wq_ref[0], preferred_element_type=jnp.float32) + bq_ref[0]
    ps = jnp.dot(s_ref[...], Ws_ref[0], preferred_element_type=jnp.float32) + bs_ref[0]

    @pl.when(n == 0)
    def _():
        qh_ref[...] = cn * pq
        sh_ref[...] = cn * ps

    @pl.when(n > 0)
    def _():
        qh_ref[...] += cn * pq
        sh_ref[...] += cn * ps


def _memory_write_kernel(qh_ref, sh_ref, m0_ref, m1_ref, m2_ref, m3_ref, out_ref):
    scale = 1.0 / (D_MEMORY ** 0.5)
    mem_refs = (m0_ref, m1_ref, m2_ref, m3_ref)
    rows = SUB * NUM_HEADS
    cols = SUB * PK
    rg = lax.broadcasted_iota(jnp.int32, (rows, cols), 0) // NUM_HEADS
    cg = lax.broadcasted_iota(jnp.int32, (rows, cols), 1) // PK
    valid = rg == cg
    zs = jnp.zeros((rows, D_MEMORY), jnp.float32)
    for k in range(NSTREAM):
        memp = mem_refs[k][...].reshape(cols, 128)
        q = qh_ref[pl.ds(k * SUB, SUB)].reshape(rows, D_MEMORY) * scale
        qe = jnp.concatenate([q, zs], axis=1)
        qo = jnp.concatenate([zs, q], axis=1)
        se = lax.dot_general(qe, memp, (((1,), (1,)), ((), ())),
                             preferred_element_type=jnp.float32)
        so = lax.dot_general(qo, memp, (((1,), (1,)), ((), ())),
                             preferred_element_type=jnp.float32)
        se = jnp.where(valid, se, -1e30)
        so = jnp.where(valid, so, -1e30)
        mx = jnp.max(jnp.maximum(se, so), axis=1, keepdims=True)
        ee = jnp.exp(se - mx)
        eo = jnp.exp(so - mx)
        z = jnp.sum(ee, axis=1, keepdims=True) + jnp.sum(eo, axis=1, keepdims=True)
        sn = sh_ref[pl.ds(k * SUB, SUB)].reshape(rows, D_MEMORY) / z
        sne = jnp.concatenate([sn, zs], axis=1)
        sno = jnp.concatenate([zs, sn], axis=1)
        upd = lax.dot_general(ee, sne, (((0,), (0,)), ((), ())),
                              preferred_element_type=jnp.float32)
        upd += lax.dot_general(eo, sno, (((0,), (0,)), ((), ())),
                               preferred_element_type=jnp.float32)
        out_ref[pl.ds(k * SUB, SUB)] = (memp + upd).reshape(SUB, PK, 128)


def kernel(query, statement, memories, sel_probs, Wq, bq, Ws, bs, sel_indices):
    sel_indices = sel_indices.astype(jnp.int32)
    bq = bq.reshape(BANK_SIZE, 1, HD)
    bs = bs.reshape(BANK_SIZE, 1, HD)

    qh, sh = pl.pallas_call(
        _make_heads_kernel,
        grid=(BANK_SIZE,),
        in_specs=[
            pl.BlockSpec((B, TOPK), lambda n: (0, 0)),
            pl.BlockSpec((B, TOPK), lambda n: (0, 0)),
            pl.BlockSpec((B, D_MODEL), lambda n: (0, 0)),
            pl.BlockSpec((B, D_MODEL), lambda n: (0, 0)),
            pl.BlockSpec((1, D_MODEL, HD), lambda n: (n, 0, 0)),
            pl.BlockSpec((1, 1, HD), lambda n: (n, 0, 0)),
            pl.BlockSpec((1, D_MODEL, HD), lambda n: (n, 0, 0)),
            pl.BlockSpec((1, 1, HD), lambda n: (n, 0, 0)),
        ],
        out_specs=[
            pl.BlockSpec((B, HD), lambda n: (0, 0)),
            pl.BlockSpec((B, HD), lambda n: (0, 0)),
        ],
        out_shape=[
            jax.ShapeDtypeStruct((B, HD), jnp.float32),
            jax.ShapeDtypeStruct((B, HD), jnp.float32),
        ],
        compiler_params=pltpu.CompilerParams(
            dimension_semantics=("arbitrary",),
        ),
    )(sel_indices, sel_probs, query, statement, Wq, bq, Ws, bs)

    qh3 = qh.reshape(B, NUM_HEADS, D_MEMORY)
    sh3 = sh.reshape(B, NUM_HEADS, D_MEMORY)
    mem2 = memories.reshape(B, PK, 128)

    mem_specs = [
        pl.BlockSpec((SUB, PK, 128), lambda i, k=k: (NSTREAM * i + k, 0, 0))
        for k in range(NSTREAM)
    ]
    out = pl.pallas_call(
        _memory_write_kernel,
        grid=(B // NB,),
        in_specs=[
            pl.BlockSpec((NB, NUM_HEADS, D_MEMORY), lambda i: (i, 0, 0)),
            pl.BlockSpec((NB, NUM_HEADS, D_MEMORY), lambda i: (i, 0, 0)),
        ] + mem_specs,
        out_specs=pl.BlockSpec((NB, PK, 128), lambda i: (i, 0, 0)),
        out_shape=jax.ShapeDtypeStruct((B, PK, 128), jnp.float32),
        compiler_params=pltpu.CompilerParams(
            dimension_semantics=("parallel",),
        ),
    )(qh3, sh3, mem2, mem2, mem2, mem2)

    return out.reshape(B, MEMORY_SIZE, D_MEMORY)

# --- scband reference (transcript-rebuilt; emitter-appended) ---
"""Pipeline reference for scband-memory-writer-60447369724366 (READ-ONLY COPY).

The authoritative reference and input builder live on the scoring server;
editing this copy changes nothing except your own understanding.
"""

import jax, jax.numpy as jnp
import numpy as np

BATCH = 1024
D_MODEL = 1024
D_MEMORY = 64
NUM_HEADS = 8
BANK_SIZE = 16
MEMORY_SIZE = 1024
TOPK = 2


def setup_inputs(seed: int = 0) -> dict:
    key = jax.random.key(seed)
    ks = jax.random.split(key, 8)
    query = jax.random.normal(ks[0], (BATCH, D_MODEL), dtype=jnp.float32)
    statement = jax.random.normal(ks[1], (BATCH, D_MODEL), dtype=jnp.float32)
    memories = jax.random.normal(ks[2], (BATCH, MEMORY_SIZE, D_MEMORY), dtype=jnp.float32)
    sel_indices = jax.random.randint(ks[3], (BATCH, TOPK), 0, BANK_SIZE)
    sel_probs = jax.random.uniform(ks[4], (BATCH, TOPK), dtype=jnp.float32)
    Wq = jax.random.normal(ks[5], (BANK_SIZE, D_MODEL, NUM_HEADS * D_MEMORY), dtype=jnp.float32) * 0.02
    bq = jnp.zeros((BANK_SIZE, NUM_HEADS * D_MEMORY), dtype=jnp.float32)
    Ws = jax.random.normal(ks[6], (BANK_SIZE, D_MODEL, NUM_HEADS * D_MEMORY), dtype=jnp.float32) * 0.02
    bs = jnp.zeros((BANK_SIZE, NUM_HEADS * D_MEMORY), dtype=jnp.float32)
    return {"query": query, "statement": statement, "memories": memories,
            "sel_probs": sel_probs, "Wq": Wq, "bq": bq, "Ws": Ws, "bs": bs,
            "sel_indices": sel_indices}


def _make_heads(x, W, b, sel_indices, sel_probs):
    # VirtualMakeHeads: bank-superposed linear projection.
    # Weighted sum over selected banks of (x @ W[bank] + b[bank]),
    # mathematically identical to projecting with the prob-combined bank weights.
    probs = sel_probs / (jnp.sum(sel_probs, axis=-1, keepdims=True) + 1e-9)
    proj_all = jnp.einsum('bd,ndo->bno', x, W) + b[None, :, :]  # (B, banks, H*dm)
    proj_sel = jnp.take_along_axis(proj_all, sel_indices[:, :, None], axis=1)  # gather (B, k, H*dm)
    out = jnp.sum(proj_sel * probs[:, :, None], axis=1)  # (B, H*dm)
    return out.reshape(x.shape[0], NUM_HEADS, D_MEMORY)


def _store_memory(q_heads, s_heads, memories):
    # vmm.store_memory: attention-addressed additive write into slot memory.
    scores = jnp.einsum('bhd,bsd->bhs', q_heads, memories) / jnp.sqrt(float(D_MEMORY))
    attn = jax.nn.softmax(scores, axis=-1)  # (B, H, S)
    update = jnp.einsum('bhs,bhd->bsd', attn, s_heads)  # scatter statement into slots
    return memories + update


def reference(query, statement, memories, sel_probs, Wq, bq, Ws, bs, sel_indices):
    q_heads = _make_heads(query, Wq, bq, sel_indices, sel_probs)
    s_heads = _make_heads(statement, Ws, bs, sel_indices, sel_probs)
    new_memories = _store_memory(q_heads, s_heads, memories)
    return new_memories

if __name__ == "__main__":
    import jax
    _d = setup_inputs()
    print(jax.jit(kernel)(*tuple(_d.values())))

</pallas_src>

<mosaic_0001>
module attributes {stable_mosaic.version = 14 : i64} {
  func.func @_make_heads_kernel(%arg0: i32, %arg1: memref<1024x2xi32, #tpu.memory_space<vmem>>, %arg2: memref<1024x2xf32, #tpu.memory_space<vmem>>, %arg3: memref<1024x1024xf32, #tpu.memory_space<vmem>>, %arg4: memref<1024x1024xf32, #tpu.memory_space<vmem>>, %arg5: memref<1x1024x512xf32, #tpu.memory_space<vmem>>, %arg6: memref<1x1x512xf32, #tpu.memory_space<vmem>>, %arg7: memref<1x1024x512xf32, #tpu.memory_space<vmem>>, %arg8: memref<1x1x512xf32, #tpu.memory_space<vmem>>, %arg9: memref<1024x512xf32, #tpu.memory_space<vmem>>, %arg10: memref<1024x512xf32, #tpu.memory_space<vmem>>) attributes {dimension_semantics = [#tpu.dimension_semantics<arbitrary>], iteration_bounds = array<i64: 16>, scalar_prefetch = 0 : i64, scratch_operands = 0 : i64, tpu.core_type = #tpu.core_type<tc>, window_params = [{pipeline_mode = #tpu.pipeline_mode<synchronous>, transform_indices = @transform_0, window_bounds = array<i64: 1024, 2>}, {pipeline_mode = #tpu.pipeline_mode<synchronous>, transform_indices = @transform_1, window_bounds = array<i64: 1024, 2>}, {pipeline_mode = #tpu.pipeline_mode<synchronous>, transform_indices = @transform_2, window_bounds = array<i64: 1024, 1024>}, {pipeline_mode = #tpu.pipeline_mode<synchronous>, transform_indices = @transform_3, window_bounds = array<i64: 1024, 1024>}, {transform_indices = @transform_4, window_bounds = array<i64: 1, 1024, 512>}, {transform_indices = @transform_5, window_bounds = array<i64: 1, 1, 512>}, {transform_indices = @transform_6, window_bounds = array<i64: 1, 1024, 512>}, {transform_indices = @transform_7, window_bounds = array<i64: 1, 1, 512>}, {pipeline_mode = #tpu.pipeline_mode<synchronous>, transform_indices = @transform_8, window_bounds = array<i64: 1024, 512>}, {pipeline_mode = #tpu.pipeline_mode<synchronous>, transform_indices = @transform_9, window_bounds = array<i64: 1024, 512>}]} {
    %get3A = arith.constant 0 : index
    %get3A_0 = arith.constant 0 : index
    %get3A_1 = vector.load %arg2[%get3A, %get3A_0] : memref<1024x2xf32, #tpu.memory_space<vmem>>, vector<1024x2xf32>
    %reduce_sum3A = arith.constant dense<0.000000e+00> : vector<1024xf32>
    %reduce_sum3A_2 = vector.multi_reduction <add>, %get3A_1, %reduce_sum3A [1] : vector<1024x2xf32> to vector<1024xf32>
    %broadcast_in_dim3A = vector.shape_cast %reduce_sum3A_2 : vector<1024xf32> to vector<1024x1xf32>
    %add3A = arith.constant 9.99999971E-10 : f32
    %add3A_3 = vector.broadcast %add3A : f32 to vector<1024x1xf32>
    %add3A_4 = arith.addf %broadcast_in_dim3A, %add3A_3 : vector<1024x1xf32>
    %div3A = vector.broadcast %add3A_4 : vector<1024x1xf32> to vector<1024x2xf32>
    %div3A_5 = arith.divf %get3A_1, %div3A : vector<1024x2xf32>
    %get3A_6 = arith.constant 0 : index
    %get3A_7 = arith.constant 0 : index
    %get3A_8 = vector.load %arg1[%get3A_6, %get3A_7] : memref<1024x2xi32, #tpu.memory_space<vmem>>, vector<1024x2xi32>
    %eq3A = vector.broadcast %arg0 : i32 to vector<1024x2xi32>
    %eq3A_9 = arith.cmpi eq, %get3A_8, %eq3A : vector<1024x2xi32>
    %jit3A = arith.constant 0.000000e+00 : f32
    %broadcast_in_dim3A_10 = vector.broadcast %jit3A : f32 to vector<1024x2xf32>
    %select_n3A = arith.select %eq3A_9, %div3A_5, %broadcast_in_dim3A_10 : vector<1024x2xi1>, vector<1024x2xf32>
    %reduce_sum3A_11 = arith.constant dense<0.000000e+00> : vector<1024xf32>
    %reduce_sum3A_12 = vector.multi_reduction <add>, %select_n3A, %reduce_sum3A_11 [1] : vector<1024x2xf32> to vector<1024xf32>
    %broadcast_in_dim3A_13 = vector.shape_cast %reduce_sum3A_12 : vector<1024xf32> to vector<1024x1xf32>
    %get3A_14 = arith.constant 0 : index
    %get3A_15 = arith.constant 0 : index
    %get3A_16 = vector.load %arg3[%get3A_14, %get3A_15] : memref<1024x1024xf32, #tpu.memory_space<vmem>>, vector<1024x1024xf32>
    %get3A_17 = arith.constant 0 : index
    %get3A_18 = arith.constant 0 : index
    %get3A_19 = arith.constant 0 : index
    %get3A_20 = vector.load %arg5[%get3A_17, %get3A_18, %get3A_19] : memref<1x1024x512xf32, #tpu.memory_space<vmem>>, vector<1x1024x512xf32>
    %get3A_21 = vector.shape_cast %get3A_20 : vector<1x1024x512xf32> to vector<1024x512xf32>
    %dot_general3A = arith.constant dense<0.000000e+00> : vector<1024x512xf32>
    %dot_general3A_22 = tpu.matmul %get3A_16, %get3A_21, %dot_general3A {dimension_numbers = #tpu.dot_dimension_numbers<[1], [0], [0], [1], [0, 0, 1, 1], [], []>, transpose_lhs_hint = false} : vector<1024x1024xf32>, vector<1024x512xf32>, vector<1024x512xf32> -> vector<1024x512xf32>
    %get3A_23 = arith.constant 0 : index
    %get3A_24 = arith.constant 0 : index
    %get3A_25 = arith.constant 0 : index
    %get3A_26 = vector.load %arg6[%get3A_23, %get3A_24, %get3A_25] : memref<1x1x512xf32, #tpu.memory_space<vmem>>, vector<1x1x512xf32>
    %get3A_27 = vector.shape_cast %get3A_26 : vector<1x1x512xf32> to vector<1x512xf32>
    %add3A_28 = vector.broadcast %get3A_27 : vector<1x512xf32> to vector<1024x512xf32>
    %add3A_29 = arith.addf %dot_general3A_22, %add3A_28 : vector<1024x512xf32>
    %get3A_30 = arith.constant 0 : index
    %get3A_31 = arith.constant 0 : index
    %get3A_32 = vector.load %arg4[%get3A_30, %get3A_31] : memref<1024x1024xf32, #tpu.memory_space<vmem>>, vector<1024x1024xf32>
    %get3A_33 = arith.constant 0 : index
    %get3A_34 = arith.constant 0 : index
    %get3A_35 = arith.constant 0 : index
    %get3A_36 = vector.load %arg7[%get3A_33, %get3A_34, %get3A_35] : memref<1x1024x512xf32, #tpu.memory_space<vmem>>, vector<1x1024x512xf32>
    %get3A_37 = vector.shape_cast %get3A_36 : vector<1x1024x512xf32> to vector<1024x512xf32>
    %dot_general3A_38 = arith.constant dense<0.000000e+00> : vector<1024x512xf32>
    %dot_general3A_39 = tpu.matmul %get3A_32, %get3A_37, %dot_general3A_38 {dimension_numbers = #tpu.dot_dimension_numbers<[1], [0], [0], [1], [0, 0, 1, 1], [], []>, transpose_lhs_hint = false} : vector<1024x1024xf32>, vector<1024x512xf32>, vector<1024x512xf32> -> vector<1024x512xf32>
    %get3A_40 = arith.constant 0 : index
    %get3A_41 = arith.constant 0 : index
    %get3A_42 = arith.constant 0 : index
    %get3A_43 = vector.load %arg8[%get3A_40, %get3A_41, %get3A_42] : memref<1x1x512xf32, #tpu.memory_space<vmem>>, vector<1x1x512xf32>
    %get3A_44 = vector.shape_cast %get3A_43 : vector<1x1x512xf32> to vector<1x512xf32>
    %add3A_45 = vector.broadcast %get3A_44 : vector<1x512xf32> to vector<1024x512xf32>
    %add3A_46 = arith.addf %dot_general3A_39, %add3A_45 : vector<1024x512xf32>
    %eq3A_47 = arith.constant 0 : i32
    %eq3A_48 = arith.cmpi eq, %arg0, %eq3A_47 : i32
    %convert_element_type3A = arith.extui %eq3A_48 : i1 to i32
    %cond3A = arith.constant 0 : i32
    %cond3A_49 = arith.cmpi ne, %convert_element_type3A, %cond3A : i32
    scf.if %cond3A_49 {
      %mul3A = vector.broadcast %broadcast_in_dim3A_13 : vector<1024x1xf32> to vector<1024x512xf32>
      %mul3A_54 = arith.mulf %mul3A, %add3A_29 : vector<1024x512xf32>
      %swap3A = arith.constant 0 : index
      %swap3A_55 = arith.constant 0 : index
      %swap3A_56 = vector.load %arg9[%swap3A, %swap3A_55] : memref<1024x512xf32, #tpu.memory_space<vmem>>, vector<1024x512xf32>
      tpu.vector_store %arg9[%swap3A, %swap3A_55], %mul3A_54 {strides = array<i32>} : memref<1024x512xf32, #tpu.memory_space<vmem>>, vector<1024x512xf32>,
      %mul3A_57 = vector.broadcast %broadcast_in_dim3A_13 : vector<1024x1xf32> to vector<1024x512xf32>
      %mul3A_58 = arith.mulf %mul3A_57, %add3A_46 : vector<1024x512xf32>
      %swap3A_59 = arith.constant 0 : index
      %swap3A_60 = arith.constant 0 : index
      %swap3A_61 = vector.load %arg10[%swap3A_59, %swap3A_60] : memref<1024x512xf32, #tpu.memory_space<vmem>>, vector<1024x512xf32>
      tpu.vector_store %arg10[%swap3A_59, %swap3A_60], %mul3A_58 {strides = array<i32>} : memref<1024x512xf32, #tpu.memory_space<vmem>>, vector<1024x512xf32>,
    } else {
    }
    %gt3A = arith.constant 0 : i32
    %gt3A_50 = arith.cmpi sgt, %arg0, %gt3A : i32
    %convert_element_type3A_51 = arith.extui %gt3A_50 : i1 to i32
    %cond3A_52 = arith.constant 0 : i32
    %cond3A_53 = arith.cmpi ne, %convert_element_type3A_51, %cond3A_52 : i32
    scf.if %cond3A_53 {
      %get3A_54 = arith.constant 0 : index
      %get3A_55 = arith.constant 0 : index
      %get3A_56 = vector.load %arg9[%get3A_54, %get3A_55] : memref<1024x512xf32, #tpu.memory_space<vmem>>, vector<1024x512xf32>
      %mul3A = vector.broadcast %broadcast_in_dim3A_13 : vector<1024x1xf32> to vector<1024x512xf32>
      %mul3A_57 = arith.mulf %mul3A, %add3A_29 : vector<1024x512xf32>
      %add3A_58 = arith.addf %get3A_56, %mul3A_57 : vector<1024x512xf32>
      %swap3A = arith.constant 0 : index
      %swap3A_59 = arith.constant 0 : index
      %swap3A_60 = vector.load %arg9[%swap3A, %swap3A_59] : memref<1024x512xf32, #tpu.memory_space<vmem>>, vector<1024x512xf32>
      tpu.vector_store %arg9[%swap3A, %swap3A_59], %add3A_58 {strides = array<i32>} : memref<1024x512xf32, #tpu.memory_space<vmem>>, vector<1024x512xf32>,
      %get3A_61 = arith.constant 0 : index
      %get3A_62 = arith.constant 0 : index
      %get3A_63 = vector.load %arg10[%get3A_61, %get3A_62] : memref<1024x512xf32, #tpu.memory_space<vmem>>, vector<1024x512xf32>
      %mul3A_64 = vector.broadcast %broadcast_in_dim3A_13 : vector<1024x1xf32> to vector<1024x512xf32>
      %mul3A_65 = arith.mulf %mul3A_64, %add3A_46 : vector<1024x512xf32>
      %add3A_66 = arith.addf %get3A_63, %mul3A_65 : vector<1024x512xf32>
      %swap3A_67 = arith.constant 0 : index
      %swap3A_68 = arith.constant 0 : index
      %swap3A_69 = vector.load %arg10[%swap3A_67, %swap3A_68] : memref<1024x512xf32, #tpu.memory_space<vmem>>, vector<1024x512xf32>
      tpu.vector_store %arg10[%swap3A_67, %swap3A_68], %add3A_66 {strides = array<i32>} : memref<1024x512xf32, #tpu.memory_space<vmem>>, vector<1024x512xf32>,
    } else {
    }
    return
  }
  func.func @transform_0(%arg0: i32) -> (i32, i32) {
    %c0_i32 = arith.constant 0 : i32
    %c0_i32_0 = arith.constant 0 : i32
    %c0_i32_1 = arith.constant 0 : i32
    return %c0_i32, %c0_i32_0 : i32, i32
  }
  func.func @transform_1(%arg0: i32) -> (i32, i32) {
    %c0_i32 = arith.constant 0 : i32
    %c0_i32_0 = arith.constant 0 : i32
    %c0_i32_1 = arith.constant 0 : i32
    return %c0_i32, %c0_i32_0 : i32, i32
  }
  func.func @transform_2(%arg0: i32) -> (i32, i32) {
    %c0_i32 = arith.constant 0 : i32
    %c0_i32_0 = arith.constant 0 : i32
    %c0_i32_1 = arith.constant 0 : i32
    return %c0_i32, %c0_i32_0 : i32, i32
  }
  func.func @transform_3(%arg0: i32) -> (i32, i32) {
    %c0_i32 = arith.constant 0 : i32
    %c0_i32_0 = arith.constant 0 : i32
    %c0_i32_1 = arith.constant 0 : i32
    return %c0_i32, %c0_i32_0 : i32, i32
  }
  func.func @transform_4(%arg0: i32) -> (i32, i32, i32) {
    %c0_i32 = arith.constant 0 : i32
    %c0_i32_0 = arith.constant 0 : i32
    %c0_i32_1 = arith.constant 0 : i32
    return %arg0, %c0_i32, %c0_i32_0 : i32, i32, i32
  }
  func.func @transform_5(%arg0: i32) -> (i32, i32, i32) {
    %c0_i32 = arith.constant 0 : i32
    %c0_i32_0 = arith.constant 0 : i32
    %c0_i32_1 = arith.constant 0 : i32
    return %arg0, %c0_i32, %c0_i32_0 : i32, i32, i32
  }
  func.func @transform_6(%arg0: i32) -> (i32, i32, i32) {
    %c0_i32 = arith.constant 0 : i32
    %c0_i32_0 = arith.constant 0 : i32
    %c0_i32_1 = arith.constant 0 : i32
    return %arg0, %c0_i32, %c0_i32_0 : i32, i32, i32
  }
  func.func @transform_7(%arg0: i32) -> (i32, i32, i32) {
    %c0_i32 = arith.constant 0 : i32
    %c0_i32_0 = arith.constant 0 : i32
    %c0_i32_1 = arith.constant 0 : i32
    return %arg0, %c0_i32, %c0_i32_0 : i32, i32, i32
  }
  func.func @transform_8(%arg0: i32) -> (i32, i32) {
    %c0_i32 = arith.constant 0 : i32
    %c0_i32_0 = arith.constant 0 : i32
    %c0_i32_1 = arith.constant 0 : i32
    return %c0_i32, %c0_i32_0 : i32, i32
  }
  func.func @transform_9(%arg0: i32) -> (i32, i32) {
    %c0_i32 = arith.constant 0 : i32
    %c0_i32_0 = arith.constant 0 : i32
    %c0_i32_1 = arith.constant 0 : i32
    return %c0_i32, %c0_i32_0 : i32, i32
  }
}

module attributes {stable_mosaic.version = 14 : i64} {
  func.func @_memory_write_kernel(%arg0: i32, %arg1: memref<16x8x64xf32, #tpu.memory_space<vmem>>, %arg2: memref<16x8x64xf32, #tpu.memory_space<vmem>>, %arg3: memref<4x512x128xf32, #tpu.memory_space<vmem>>, %arg4: memref<4x512x128xf32, #tpu.memory_space<vmem>>, %arg5: memref<4x512x128xf32, #tpu.memory_space<vmem>>, %arg6: memref<4x512x128xf32, #tpu.memory_space<vmem>>, %arg7: memref<16x512x128xf32, #tpu.memory_space<vmem>>) attributes {dimension_semantics = [#tpu.dimension_semantics<parallel>], iteration_bounds = array<i64: 64>, scalar_prefetch = 0 : i64, scratch_operands = 0 : i64, tpu.core_type = #tpu.core_type<tc>, window_params = [{transform_indices = @transform_0, window_bounds = array<i64: 16, 8, 64>}, {transform_indices = @transform_1, window_bounds = array<i64: 16, 8, 64>}, {transform_indices = @transform_2, window_bounds = array<i64: 4, 512, 128>}, {transform_indices = @transform_3, window_bounds = array<i64: 4, 512, 128>}, {transform_indices = @transform_4, window_bounds = array<i64: 4, 512, 128>}, {transform_indices = @transform_5, window_bounds = array<i64: 4, 512, 128>}, {transform_indices = @transform_6, window_bounds = array<i64: 16, 512, 128>}]} {
    %iota3A = tpu.iota {dimensions = array<i32: 0>} : vector<32x2048xi32>
    %jit3A = arith.constant 8 : i32
    %div3A = vector.broadcast %jit3A : i32 to vector<32x2048xi32>
    %div3A_0 = arith.divsi %iota3A, %div3A : vector<32x2048xi32>
    %sign3A = arith.constant 0 : i32
    %sign3A_1 = vector.broadcast %sign3A : i32 to vector<32x2048xi32>
    %sign3A_2 = arith.cmpi sgt, %iota3A, %sign3A_1 : vector<32x2048xi32>
    %sign3A_3 = arith.extui %sign3A_2 : vector<32x2048xi1> to vector<32x2048xi32>
    %sign3A_4 = arith.constant 0 : i32
    %sign3A_5 = vector.broadcast %sign3A_4 : i32 to vector<32x2048xi32>
    %sign3A_6 = arith.cmpi slt, %iota3A, %sign3A_5 : vector<32x2048xi32>
    %sign3A_7 = arith.extui %sign3A_6 : vector<32x2048xi1> to vector<32x2048xi32>
    %sign3A_8 = arith.subi %sign3A_3, %sign3A_7 : vector<32x2048xi32>
    %sign3A_9 = arith.constant 0 : i32
    %sign3A_10 = arith.cmpi sgt, %jit3A, %sign3A_9 : i32
    %sign3A_11 = arith.extui %sign3A_10 : i1 to i32
    %sign3A_12 = arith.constant 0 : i32
    %sign3A_13 = arith.cmpi slt, %jit3A, %sign3A_12 : i32
    %sign3A_14 = arith.extui %sign3A_13 : i1 to i32
    %sign3A_15 = arith.subi %sign3A_11, %sign3A_14 : i32
    %ne3A = vector.broadcast %sign3A_15 : i32 to vector<32x2048xi32>
    %ne3A_16 = arith.cmpi ne, %sign3A_8, %ne3A : vector<32x2048xi32>
    %rem3A = vector.broadcast %jit3A : i32 to vector<32x2048xi32>
    %rem3A_17 = arith.remsi %iota3A, %rem3A : vector<32x2048xi32>
    %ne3A_18 = arith.constant 0 : i32
    %ne3A_19 = vector.broadcast %ne3A_18 : i32 to vector<32x2048xi32>
    %ne3A_20 = arith.cmpi ne, %rem3A_17, %ne3A_19 : vector<32x2048xi32>
    %and3A = arith.andi %ne3A_16, %ne3A_20 : vector<32x2048xi1>
    %sub3A = arith.constant 1 : i32
    %sub3A_21 = vector.broadcast %sub3A : i32 to vector<32x2048xi32>
    %sub3A_22 = arith.subi %div3A_0, %sub3A_21 : vector<32x2048xi32>
    %select_n3A = arith.select %and3A, %sub3A_22, %div3A_0 : vector<32x2048xi1>, vector<32x2048xi32>
    %iota3A_23 = tpu.iota {dimensions = array<i32: 1>} : vector<32x2048xi32>
    %jit3A_24 = arith.constant 512 : i32
    %div3A_25 = vector.broadcast %jit3A_24 : i32 to vector<32x2048xi32>
    %div3A_26 = arith.divsi %iota3A_23, %div3A_25 : vector<32x2048xi32>
    %sign3A_27 = arith.constant 0 : i32
    %sign3A_28 = vector.broadcast %sign3A_27 : i32 to vector<32x2048xi32>
    %sign3A_29 = arith.cmpi sgt, %iota3A_23, %sign3A_28 : vector<32x2048xi32>
    %sign3A_30 = arith.extui %sign3A_29 : vector<32x2048xi1> to vector<32x2048xi32>
    %sign3A_31 = arith.constant 0 : i32
    %sign3A_32 = vector.broadcast %sign3A_31 : i32 to vector<32x2048xi32>
    %sign3A_33 = arith.cmpi slt, %iota3A_23, %sign3A_32 : vector<32x2048xi32>
    %sign3A_34 = arith.extui %sign3A_33 : vector<32x2048xi1> to vector<32x2048xi32>
    %sign3A_35 = arith.subi %sign3A_30, %sign3A_34 : vector<32x2048xi32>
    %sign3A_36 = arith.constant 0 : i32
    %sign3A_37 = arith.cmpi sgt, %jit3A_24, %sign3A_36 : i32
    %sign3A_38 = arith.extui %sign3A_37 : i1 to i32
    %sign3A_39 = arith.constant 0 : i32
    %sign3A_40 = arith.cmpi slt, %jit3A_24, %sign3A_39 : i32
    %sign3A_41 = arith.extui %sign3A_40 : i1 to i32
    %sign3A_42 = arith.subi %sign3A_38, %sign3A_41 : i32
    %ne3A_43 = vector.broadcast %sign3A_42 : i32 to vector<32x2048xi32>
    %ne3A_44 = arith.cmpi ne, %sign3A_35, %ne3A_43 : vector<32x2048xi32>
    %rem3A_45 = vector.broadcast %jit3A_24 : i32 to vector<32x2048xi32>
    %rem3A_46 = arith.remsi %iota3A_23, %rem3A_45 : vector<32x2048xi32>
    %ne3A_47 = arith.constant 0 : i32
    %ne3A_48 = vector.broadcast %ne3A_47 : i32 to vector<32x2048xi32>
    %ne3A_49 = arith.cmpi ne, %rem3A_46, %ne3A_48 : vector<32x2048xi32>
    %and3A_50 = arith.andi %ne3A_44, %ne3A_49 : vector<32x2048xi1>
    %sub3A_51 = arith.constant 1 : i32
    %sub3A_52 = vector.broadcast %sub3A_51 : i32 to vector<32x2048xi32>
    %sub3A_53 = arith.subi %div3A_26, %sub3A_52 : vector<32x2048xi32>
    %select_n3A_54 = arith.select %and3A_50, %sub3A_53, %div3A_26 : vector<32x2048xi1>, vector<32x2048xi32>
    %eq3A = arith.cmpi eq, %select_n3A, %select_n3A_54 : vector<32x2048xi32>
    %broadcast_in_dim3A = arith.constant 0.000000e+00 : f32
    %broadcast_in_dim3A_55 = vector.broadcast %broadcast_in_dim3A : f32 to vector<32x64xf32>
    %get3A = arith.constant 0 : index
    %get3A_56 = arith.constant 0 : index
    %get3A_57 = arith.constant 0 : index
    %get3A_58 = vector.load %arg3[%get3A, %get3A_56, %get3A_57] : memref<4x512x128xf32, #tpu.memory_space<vmem>>, vector<4x512x128xf32>
    %reshape3A = vector.shape_cast %get3A_58 : vector<4x512x128xf32> to vector<2048x128xf32>
    %get3A_59 = arith.constant 0 : index
    %get3A_60 = arith.constant 0 : index
    %get3A_61 = arith.constant 0 : index
    %get3A_62 = vector.load %arg1[%get3A_59, %get3A_60, %get3A_61] : memref<16x8x64xf32, #tpu.memory_space<vmem>>, vector<4x8x64xf32>
    %reshape3A_63 = vector.shape_cast %get3A_62 : vector<4x8x64xf32> to vector<32x64xf32>
    %mul3A = arith.constant 1.250000e-01 : f32
    %mul3A_64 = vector.broadcast %mul3A : f32 to vector<32x64xf32>
    %mul3A_65 = arith.mulf %reshape3A_63, %mul3A_64 : vector<32x64xf32>
    %concatenate3A = tpu.concatenate %mul3A_65, %broadcast_in_dim3A_55 in 1 : vector<32x64xf32>, vector<32x64xf32> -> vector<32x128xf32>
    %concatenate3A_66 = tpu.concatenate %broadcast_in_dim3A_55, %mul3A_65 in 1 : vector<32x64xf32>, vector<32x64xf32> -> vector<32x128xf32>
    %dot_general3A = arith.constant dense<0.000000e+00> : vector<32x2048xf32>
    %dot_general3A_67 = tpu.matmul %concatenate3A, %reshape3A, %dot_general3A {dimension_numbers = #tpu.dot_dimension_numbers<[1], [1], [0], [0], [0, 0, 1, 0], [], []>, transpose_lhs_hint = false} : vector<32x128xf32>, vector<2048x128xf32>, vector<32x2048xf32> -> vector<32x2048xf32>
    %dot_general3A_68 = arith.constant dense<0.000000e+00> : vector<32x2048xf32>
    %dot_general3A_69 = tpu.matmul %concatenate3A_66, %reshape3A, %dot_general3A_68 {dimension_numbers = #tpu.dot_dimension_numbers<[1], [1], [0], [0], [0, 0, 1, 0], [], []>, transpose_lhs_hint = false} : vector<32x128xf32>, vector<2048x128xf32>, vector<32x2048xf32> -> vector<32x2048xf32>
    %jit3A_70 = arith.constant -1.000000e+30 : f32
    %broadcast_in_dim3A_71 = vector.broadcast %jit3A_70 : f32 to vector<32x2048xf32>
    %select_n3A_72 = arith.select %eq3A, %dot_general3A_67, %broadcast_in_dim3A_71 : vector<32x2048xi1>, vector<32x2048xf32>
    %jit3A_73 = arith.constant -1.000000e+30 : f32
    %broadcast_in_dim3A_74 = vector.broadcast %jit3A_73 : f32 to vector<32x2048xf32>
    %select_n3A_75 = arith.select %eq3A, %dot_general3A_69, %broadcast_in_dim3A_74 : vector<32x2048xi1>, vector<32x2048xf32>
    %max3A = arith.maximumf %select_n3A_72, %select_n3A_75 : vector<32x2048xf32>
    %reduce_max3A = arith.constant dense<0xFF800000> : vector<32xf32>
    %reduce_max3A_76 = vector.multi_reduction <maximumf>, %max3A, %reduce_max3A [1] : vector<32x2048xf32> to vector<32xf32>
    %broadcast_in_dim3A_77 = vector.shape_cast %reduce_max3A_76 : vector<32xf32> to vector<32x1xf32>
    %sub3A_78 = vector.broadcast %broadcast_in_dim3A_77 : vector<32x1xf32> to vector<32x2048xf32>
    %sub3A_79 = arith.subf %select_n3A_72, %sub3A_78 : vector<32x2048xf32>
    %exp3A = math.exp %sub3A_79 : vector<32x2048xf32>
    %sub3A_80 = vector.broadcast %broadcast_in_dim3A_77 : vector<32x1xf32> to vector<32x2048xf32>
    %sub3A_81 = arith.subf %select_n3A_75, %sub3A_80 : vector<32x2048xf32>
    %exp3A_82 = math.exp %sub3A_81 : vector<32x2048xf32>
    %reduce_sum3A = arith.constant dense<0.000000e+00> : vector<32xf32>
    %reduce_sum3A_83 = vector.multi_reduction <add>, %exp3A, %reduce_sum3A [1] : vector<32x2048xf32> to vector<32xf32>
    %broadcast_in_dim3A_84 = vector.shape_cast %reduce_sum3A_83 : vector<32xf32> to vector<32x1xf32>
    %reduce_sum3A_85 = arith.constant dense<0.000000e+00> : vector<32xf32>
    %reduce_sum3A_86 = vector.multi_reduction <add>, %exp3A_82, %reduce_sum3A_85 [1] : vector<32x2048xf32> to vector<32xf32>
    %broadcast_in_dim3A_87 = vector.shape_cast %reduce_sum3A_86 : vector<32xf32> to vector<32x1xf32>
    %add3A = arith.addf %broadcast_in_dim3A_84, %broadcast_in_dim3A_87 : vector<32x1xf32>
    %get3A_88 = arith.constant 0 : index
    %get3A_89 = arith.constant 0 : index
    %get3A_90 = arith.constant 0 : index
    %get3A_91 = vector.load %arg2[%get3A_88, %get3A_89, %get3A_90] : memref<16x8x64xf32, #tpu.memory_space<vmem>>, vector<4x8x64xf32>
    %reshape3A_92 = vector.shape_cast %get3A_91 : vector<4x8x64xf32> to vector<32x64xf32>
    %div3A_93 = vector.broadcast %add3A : vector<32x1xf32> to vector<32x64xf32>
    %div3A_94 = arith.divf %reshape3A_92, %div3A_93 : vector<32x64xf32>
    %concatenate3A_95 = tpu.concatenate %div3A_94, %broadcast_in_dim3A_55 in 1 : vector<32x64xf32>, vector<32x64xf32> -> vector<32x128xf32>
    %concatenate3A_96 = tpu.concatenate %broadcast_in_dim3A_55, %div3A_94 in 1 : vector<32x64xf32>, vector<32x64xf32> -> vector<32x128xf32>
    %dot_general3A_97 = arith.constant dense<0.000000e+00> : vector<2048x128xf32>
    %dot_general3A_98 = tpu.matmul %exp3A, %concatenate3A_95, %dot_general3A_97 {dimension_numbers = #tpu.dot_dimension_numbers<[0], [0], [1], [1], [0, 1, 1, 1], [], []>, transpose_lhs_hint = false} : vector<32x2048xf32>, vector<32x128xf32>, vector<2048x128xf32> -> vector<2048x128xf32>
    %dot_general3A_99 = arith.constant dense<0.000000e+00> : vector<2048x128xf32>
    %dot_general3A_100 = tpu.matmul %exp3A_82, %concatenate3A_96, %dot_general3A_99 {dimension_numbers = #tpu.dot_dimension_numbers<[0], [0], [1], [1], [0, 1, 1, 1], [], []>, transpose_lhs_hint = false} : vector<32x2048xf32>, vector<32x128xf32>, vector<2048x128xf32> -> vector<2048x128xf32>
    %add3A_101 = arith.addf %dot_general3A_98, %dot_general3A_100 : vector<2048x128xf32>
    %add3A_102 = arith.addf %reshape3A, %add3A_101 : vector<2048x128xf32>
    %reshape3A_103 = vector.shape_cast %add3A_102 : vector<2048x128xf32> to vector<4x512x128xf32>
    %swap3A = arith.constant 0 : index
    %swap3A_104 = arith.constant 0 : index
    %swap3A_105 = arith.constant 0 : index
    %swap3A_106 = vector.load %arg7[%swap3A, %swap3A_104, %swap3A_105] : memref<16x512x128xf32, #tpu.memory_space<vmem>>, vector<4x512x128xf32>
    tpu.vector_store %arg7[%swap3A, %swap3A_104, %swap3A_105], %reshape3A_103 {strides = array<i32>} : memref<16x512x128xf32, #tpu.memory_space<vmem>>, vector<4x512x128xf32>,
    %get3A_107 = arith.constant 0 : index
    %get3A_108 = arith.constant 0 : index
    %get3A_109 = arith.constant 0 : index
    %get3A_110 = vector.load %arg4[%get3A_107, %get3A_108, %get3A_109] : memref<4x512x128xf32, #tpu.memory_space<vmem>>, vector<4x512x128xf32>
    %reshape3A_111 = vector.shape_cast %get3A_110 : vector<4x512x128xf32> to vector<2048x128xf32>
    %get3A_112 = arith.constant 4 : index
    %get3A_113 = arith.constant 0 : index
    %get3A_114 = arith.constant 0 : index
    %get3A_115 = vector.load %arg1[%get3A_112, %get3A_113, %get3A_114] : memref<16x8x64xf32, #tpu.memory_space<vmem>>, vector<4x8x64xf32>
    %reshape3A_116 = vector.shape_cast %get3A_115 : vector<4x8x64xf32> to vector<32x64xf32>
    %mul3A_117 = arith.constant 1.250000e-01 : f32
    %mul3A_118 = vector.broadcast %mul3A_117 : f32 to vector<32x64xf32>
    %mul3A_119 = arith.mulf %reshape3A_116, %mul3A_118 : vector<32x64xf32>
    %concatenate3A_120 = tpu.concatenate %mul3A_119, %broadcast_in_dim3A_55 in 1 : vector<32x64xf32>, vector<32x64xf32> -> vector<32x128xf32>
    %concatenate3A_121 = tpu.concatenate %broadcast_in_dim3A_55, %mul3A_119 in 1 : vector<32x64xf32>, vector<32x64xf32> -> vector<32x128xf32>
    %dot_general3A_122 = arith.constant dense<0.000000e+00> : vector<32x2048xf32>
    %dot_general3A_123 = tpu.matmul %concatenate3A_120, %reshape3A_111, %dot_general3A_122 {dimension_numbers = #tpu.dot_dimension_numbers<[1], [1], [0], [0], [0, 0, 1, 0], [], []>, transpose_lhs_hint = false} : vector<32x128xf32>, vector<2048x128xf32>, vector<32x2048xf32> -> vector<32x2048xf32>
    %dot_general3A_124 = arith.constant dense<0.000000e+00> : vector<32x2048xf32>
    %dot_general3A_125 = tpu.matmul %concatenate3A_121, %reshape3A_111, %dot_general3A_124 {dimension_numbers = #tpu.dot_dimension_numbers<[1], [1], [0], [0], [0, 0, 1, 0], [], []>, transpose_lhs_hint = false} : vector<32x128xf32>, vector<2048x128xf32>, vector<32x2048xf32> -> vector<32x2048xf32>
    %jit3A_126 = arith.constant -1.000000e+30 : f32
    %broadcast_in_dim3A_127 = vector.broadcast %jit3A_126 : f32 to vector<32x2048xf32>
    %select_n3A_128 = arith.select %eq3A, %dot_general3A_123, %broadcast_in_dim3A_127 : vector<32x2048xi1>, vector<32x2048xf32>
    %jit3A_129 = arith.constant -1.000000e+30 : f32
    %broadcast_in_dim3A_130 = vector.broadcast %jit3A_129 : f32 to vector<32x2048xf32>
    %select_n3A_131 = arith.select %eq3A, %dot_general3A_125, %broadcast_in_dim3A_130 : vector<32x2048xi1>, vector<32x2048xf32>
    %max3A_132 = arith.maximumf %select_n3A_128, %select_n3A_131 : vector<32x2048xf32>
    %reduce_max3A_133 = arith.constant dense<0xFF800000> : vector<32xf32>
    %reduce_max3A_134 = vector.multi_reduction <maximumf>, %max3A_132, %reduce_max3A_133 [1] : vector<32x2048xf32> to vector<32xf32>
    %broadcast_in_dim3A_135 = vector.shape_cast %reduce_max3A_134 : vector<32xf32> to vector<32x1xf32>
    %sub3A_136 = vector.broadcast %broadcast_in_dim3A_135 : vector<32x1xf32> to vector<32x2048xf32>
    %sub3A_137 = arith.subf %select_n3A_128, %sub3A_136 : vector<32x2048xf32>
    %exp3A_138 = math.exp %sub3A_137 : vector<32x2048xf32>
    %sub3A_139 = vector.broadcast %broadcast_in_dim3A_135 : vector<32x1xf32> to vector<32x2048xf32>
    %sub3A_140 = arith.subf %select_n3A_131, %sub3A_139 : vector<32x2048xf32>
    %exp3A_141 = math.exp %sub3A_140 : vector<32x2048xf32>
    %reduce_sum3A_142 = arith.constant dense<0.000000e+00> : vector<32xf32>
    %reduce_sum3A_143 = vector.multi_reduction <add>, %exp3A_138, %reduce_sum3A_142 [1] : vector<32x2048xf32> to vector<32xf32>
    %broadcast_in_dim3A_144 = vector.shape_cast %reduce_sum3A_143 : vector<32xf32> to vector<32x1xf32>
    %reduce_sum3A_145 = arith.constant dense<0.000000e+00> : vector<32xf32>
    %reduce_sum3A_146 = vector.multi_reduction <add>, %exp3A_141, %reduce_sum3A_145 [1] : vector<32x2048xf32> to vector<32xf32>
    %broadcast_in_dim3A_147 = vector.shape_cast %reduce_sum3A_146 : vector<32xf32> to vector<32x1xf32>
    %add3A_148 = arith.addf %broadcast_in_dim3A_144, %broadcast_in_dim3A_147 : vector<32x1xf32>
    %get3A_149 = arith.constant 4 : index
    %get3A_150 = arith.constant 0 : index
    %get3A_151 = arith.constant 0 : index
    %get3A_152 = vector.load %arg2[%get3A_149, %get3A_150, %get3A_151] : memref<16x8x64xf32, #tpu.memory_space<vmem>>, vector<4x8x64xf32>
    %reshape3A_153 = vector.shape_cast %get3A_152 : vector<4x8x64xf32> to vector<32x64xf32>
    %div3A_154 = vector.broadcast %add3A_148 : vector<32x1xf32> to vector<32x64xf32>
    %div3A_155 = arith.divf %reshape3A_153, %div3A_154 : vector<32x64xf32>
    %concatenate3A_156 = tpu.concatenate %div3A_155, %broadcast_in_dim3A_55 in 1 : vector<32x64xf32>, vector<32x64xf32> -> vector<32x128xf32>
    %concatenate3A_157 = tpu.concatenate %broadcast_in_dim3A_55, %div3A_155 in 1 : vector<32x64xf32>, vector<32x64xf32> -> vector<32x128xf32>
    %dot_general3A_158 = arith.constant dense<0.000000e+00> : vector<2048x128xf32>
    %dot_general3A_159 = tpu.matmul %exp3A_138, %concatenate3A_156, %dot_general3A_158 {dimension_numbers = #tpu.dot_dimension_numbers<[0], [0], [1], [1], [0, 1, 1, 1], [], []>, transpose_lhs_hint = false} : vector<32x2048xf32>, vector<32x128xf32>, vector<2048x128xf32> -> vector<2048x128xf32>
    %dot_general3A_160 = arith.constant dense<0.000000e+00> : vector<2048x128xf32>
    %dot_general3A_161 = tpu.matmul %exp3A_141, %concatenate3A_157, %dot_general3A_160 {dimension_numbers = #tpu.dot_dimension_numbers<[0], [0], [1], [1], [0, 1, 1, 1], [], []>, transpose_lhs_hint = false} : vector<32x2048xf32>, vector<32x128xf32>, vector<2048x128xf32> -> vector<2048x128xf32>
    %add3A_162 = arith.addf %dot_general3A_159, %dot_general3A_161 : vector<2048x128xf32>
    %add3A_163 = arith.addf %reshape3A_111, %add3A_162 : vector<2048x128xf32>
    %reshape3A_164 = vector.shape_cast %add3A_163 : vector<2048x128xf32> to vector<4x512x128xf32>
    %swap3A_165 = arith.constant 4 : index
    %swap3A_166 = arith.constant 0 : index
    %swap3A_167 = arith.constant 0 : index
    %swap3A_168 = vector.load %arg7[%swap3A_165, %swap3A_166, %swap3A_167] : memref<16x512x128xf32, #tpu.memory_space<vmem>>, vector<4x512x128xf32>
    tpu.vector_store %arg7[%swap3A_165, %swap3A_166, %swap3A_167], %reshape3A_164 {strides = array<i32>} : memref<16x512x128xf32, #tpu.memory_space<vmem>>, vector<4x512x128xf32>,
    %get3A_169 = arith.constant 0 : index
    %get3A_170 = arith.constant 0 : index
    %get3A_171 = arith.constant 0 : index
    %get3A_172 = vector.load %arg5[%get3A_169, %get3A_170, %get3A_171] : memref<4x512x128xf32, #tpu.memory_space<vmem>>, vector<4x512x128xf32>
    %reshape3A_173 = vector.shape_cast %get3A_172 : vector<4x512x128xf32> to vector<2048x128xf32>
    %get3A_174 = arith.constant 8 : index
    %get3A_175 = arith.constant 0 : index
    %get3A_176 = arith.constant 0 : index
    %get3A_177 = vector.load %arg1[%get3A_174, %get3A_175, %get3A_176] : memref<16x8x64xf32, #tpu.memory_space<vmem>>, vector<4x8x64xf32>
    %reshape3A_178 = vector.shape_cast %get3A_177 : vector<4x8x64xf32> to vector<32x64xf32>
    %mul3A_179 = arith.constant 1.250000e-01 : f32
    %mul3A_180 = vector.broadcast %mul3A_179 : f32 to vector<32x64xf32>
    %mul3A_181 = arith.mulf %reshape3A_178, %mul3A_180 : vector<32x64xf32>
    %concatenate3A_182 = tpu.concatenate %mul3A_181, %broadcast_in_dim3A_55 in 1 : vector<32x64xf32>, vector<32x64xf32> -> vector<32x128xf32>
    %concatenate3A_183 = tpu.concatenate %broadcast_in_dim3A_55, %mul3A_181 in 1 : vector<32x64xf32>, vector<32x64xf32> -> vector<32x128xf32>
    %dot_general3A_184 = arith.constant dense<0.000000e+00> : vector<32x2048xf32>
    %dot_general3A_185 = tpu.matmul %concatenate3A_182, %reshape3A_173, %dot_general3A_184 {dimension_numbers = #tpu.dot_dimension_numbers<[1], [1], [0], [0], [0, 0, 1, 0], [], []>, transpose_lhs_hint = false} : vector<32x128xf32>, vector<2048x128xf32>, vector<32x2048xf32> -> vector<32x2048xf32>
    %dot_general3A_186 = arith.constant dense<0.000000e+00> : vector<32x2048xf32>
    %dot_general3A_187 = tpu.matmul %concatenate3A_183, %reshape3A_173, %dot_general3A_186 {dimension_numbers = #tpu.dot_dimension_numbers<[1], [1], [0], [0], [0, 0, 1, 0], [], []>, transpose_lhs_hint = false} : vector<32x128xf32>, vector<2048x128xf32>, vector<32x2048xf32> -> vector<32x2048xf32>
    %jit3A_188 = arith.constant -1.000000e+30 : f32
    %broadcast_in_dim3A_189 = vector.broadcast %jit3A_188 : f32 to vector<32x2048xf32>
    %select_n3A_190 = arith.select %eq3A, %dot_general3A_185, %broadcast_in_dim3A_189 : vector<32x2048xi1>, vector<32x2048xf32>
    %jit3A_191 = arith.constant -1.000000e+30 : f32
    %broadcast_in_dim3A_192 = vector.broadcast %jit3A_191 : f32 to vector<32x2048xf32>
    %select_n3A_193 = arith.select %eq3A, %dot_general3A_187, %broadcast_in_dim3A_192 : vector<32x2048xi1>, vector<32x2048xf32>
    %max3A_194 = arith.maximumf %select_n3A_190, %select_n3A_193 : vector<32x2048xf32>
    %reduce_max3A_195 = arith.constant dense<0xFF800000> : vector<32xf32>
    %reduce_max3A_196 = vector.multi_reduction <maximumf>, %max3A_194, %reduce_max3A_195 [1] : vector<32x2048xf32> to vector<32xf32>
    %broadcast_in_dim3A_197 = vector.shape_cast %reduce_max3A_196 : vector<32xf32> to vector<32x1xf32>
    %sub3A_198 = vector.broadcast %broadcast_in_dim3A_197 : vector<32x1xf32> to vector<32x2048xf32>
    %sub3A_199 = arith.subf %select_n3A_190, %sub3A_198 : vector<32x2048xf32>
    %exp3A_200 = math.exp %sub3A_199 : vector<32x2048xf32>
    %sub3A_201 = vector.broadcast %broadcast_in_dim3A_197 : vector<32x1xf32> to vector<32x2048xf32>
    %sub3A_202 = arith.subf %select_n3A_193, %sub3A_201 : vector<32x2048xf32>
    %exp3A_203 = math.exp %sub3A_202 : vector<32x2048xf32>
    %reduce_sum3A_204 = arith.constant dense<0.000000e+00> : vector<32xf32>
    %reduce_sum3A_205 = vector.multi_reduction <add>, %exp3A_200, %reduce_sum3A_204 [1] : vector<32x2048xf32> to vector<32xf32>
    %broadcast_in_dim3A_206 = vector.shape_cast %reduce_sum3A_205 : vector<32xf32> to vector<32x1xf32>
    %reduce_sum3A_207 = arith.constant dense<0.000000e+00> : vector<32xf32>
    %reduce_sum3A_208 = vector.multi_reduction <add>, %exp3A_203, %reduce_sum3A_207 [1] : vector<32x2048xf32> to vector<32xf32>
    %broadcast_in_dim3A_209 = vector.shape_cast %reduce_sum3A_208 : vector<32xf32> to vector<32x1xf32>
    %add3A_210 = arith.addf %broadcast_in_dim3A_206, %broadcast_in_dim3A_209 : vector<32x1xf32>
    %get3A_211 = arith.constant 8 : index
    %get3A_212 = arith.constant 0 : index
    %get3A_213 = arith.constant 0 : index
    %get3A_214 = vector.load %arg2[%get3A_211, %get3A_212, %get3A_213] : memref<16x8x64xf32, #tpu.memory_space<vmem>>, vector<4x8x64xf32>
    %reshape3A_215 = vector.shape_cast %get3A_214 : vector<4x8x64xf32> to vector<32x64xf32>
    %div3A_216 = vector.broadcast %add3A_210 : vector<32x1xf32> to vector<32x64xf32>
    %div3A_217 = arith.divf %reshape3A_215, %div3A_216 : vector<32x64xf32>
    %concatenate3A_218 = tpu.concatenate %div3A_217, %broadcast_in_dim3A_55 in 1 : vector<32x64xf32>, vector<32x64xf32> -> vector<32x128xf32>
    %concatenate3A_219 = tpu.concatenate %broadcast_in_dim3A_55, %div3A_217 in 1 : vector<32x64xf32>, vector<32x64xf32> -> vector<32x128xf32>
    %dot_general3A_220 = arith.constant dense<0.000000e+00> : vector<2048x128xf32>
    %dot_general3A_221 = tpu.matmul %exp3A_200, %concatenate3A_218, %dot_general3A_220 {dimension_numbers = #tpu.dot_dimension_numbers<[0], [0], [1], [1], [0, 1, 1, 1], [], []>, transpose_lhs_hint = false} : vector<32x2048xf32>, vector<32x128xf32>, vector<2048x128xf32> -> vector<2048x128xf32>
    %dot_general3A_222 = arith.constant dense<0.000000e+00> : vector<2048x128xf32>
    %dot_general3A_223 = tpu.matmul %exp3A_203, %concatenate3A_219, %dot_general3A_222 {dimension_numbers = #tpu.dot_dimension_numbers<[0], [0], [1], [1], [0, 1, 1, 1], [], []>, transpose_lhs_hint = false} : vector<32x2048xf32>, vector<32x128xf32>, vector<2048x128xf32> -> vector<2048x128xf32>
    %add3A_224 = arith.addf %dot_general3A_221, %dot_general3A_223 : vector<2048x128xf32>
    %add3A_225 = arith.addf %reshape3A_173, %add3A_224 : vector<2048x128xf32>
    %reshape3A_226 = vector.shape_cast %add3A_225 : vector<2048x128xf32> to vector<4x512x128xf32>
    %swap3A_227 = arith.constant 8 : index
    %swap3A_228 = arith.constant 0 : index
    %swap3A_229 = arith.constant 0 : index
    %swap3A_230 = vector.load %arg7[%swap3A_227, %swap3A_228, %swap3A_229] : memref<16x512x128xf32, #tpu.memory_space<vmem>>, vector<4x512x128xf32>
    tpu.vector_store %arg7[%swap3A_227, %swap3A_228, %swap3A_229], %reshape3A_226 {strides = array<i32>} : memref<16x512x128xf32, #tpu.memory_space<vmem>>, vector<4x512x128xf32>,
    %get3A_231 = arith.constant 0 : index
    %get3A_232 = arith.constant 0 : index
    %get3A_233 = arith.constant 0 : index
    %get3A_234 = vector.load %arg6[%get3A_231, %get3A_232, %get3A_233] : memref<4x512x128xf32, #tpu.memory_space<vmem>>, vector<4x512x128xf32>
    %reshape3A_235 = vector.shape_cast %get3A_234 : vector<4x512x128xf32> to vector<2048x128xf32>
    %get3A_236 = arith.constant 12 : index
    %get3A_237 = arith.constant 0 : index
    %get3A_238 = arith.constant 0 : index
    %get3A_239 = vector.load %arg1[%get3A_236, %get3A_237, %get3A_238] : memref<16x8x64xf32, #tpu.memory_space<vmem>>, vector<4x8x64xf32>
    %reshape3A_240 = vector.shape_cast %get3A_239 : vector<4x8x64xf32> to vector<32x64xf32>
    %mul3A_241 = arith.constant 1.250000e-01 : f32
    %mul3A_242 = vector.broadcast %mul3A_241 : f32 to vector<32x64xf32>
    %mul3A_243 = arith.mulf %reshape3A_240, %mul3A_242 : vector<32x64xf32>
    %concatenate3A_244 = tpu.concatenate %mul3A_243, %broadcast_in_dim3A_55 in 1 : vector<32x64xf32>, vector<32x64xf32> -> vector<32x128xf32>
    %concatenate3A_245 = tpu.concatenate %broadcast_in_dim3A_55, %mul3A_243 in 1 : vector<32x64xf32>, vector<32x64xf32> -> vector<32x128xf32>
    %dot_general3A_246 = arith.constant dense<0.000000e+00> : vector<32x2048xf32>
    %dot_general3A_247 = tpu.matmul %concatenate3A_244, %reshape3A_235, %dot_general3A_246 {dimension_numbers = #tpu.dot_dimension_numbers<[1], [1], [0], [0], [0, 0, 1, 0], [], []>, transpose_lhs_hint = false} : vector<32x128xf32>, vector<2048x128xf32>, vector<32x2048xf32> -> vector<32x2048xf32>
    %dot_general3A_248 = arith.constant dense<0.000000e+00> : vector<32x2048xf32>
    %dot_general3A_249 = tpu.matmul %concatenate3A_245, %reshape3A_235, %dot_general3A_248 {dimension_numbers = #tpu.dot_dimension_numbers<[1], [1], [0], [0], [0, 0, 1, 0], [], []>, transpose_lhs_hint = false} : vector<32x128xf32>, vector<2048x128xf32>, vector<32x2048xf32> -> vector<32x2048xf32>
    %jit3A_250 = arith.constant -1.000000e+30 : f32
    %broadcast_in_dim3A_251 = vector.broadcast %jit3A_250 : f32 to vector<32x2048xf32>
    %select_n3A_252 = arith.select %eq3A, %dot_general3A_247, %broadcast_in_dim3A_251 : vector<32x2048xi1>, vector<32x2048xf32>
    %jit3A_253 = arith.constant -1.000000e+30 : f32
    %broadcast_in_dim3A_254 = vector.broadcast %jit3A_253 : f32 to vector<32x2048xf32>
    %select_n3A_255 = arith.select %eq3A, %dot_general3A_249, %broadcast_in_dim3A_254 : vector<32x2048xi1>, vector<32x2048xf32>
    %max3A_256 = arith.maximumf %select_n3A_252, %select_n3A_255 : vector<32x2048xf32>
    %reduce_max3A_257 = arith.constant dense<0xFF800000> : vector<32xf32>
    %reduce_max3A_258 = vector.multi_reduction <maximumf>, %max3A_256, %reduce_max3A_257 [1] : vector<32x2048xf32> to vector<32xf32>
    %broadcast_in_dim3A_259 = vector.shape_cast %reduce_max3A_258 : vector<32xf32> to vector<32x1xf32>
    %sub3A_260 = vector.broadcast %broadcast_in_dim3A_259 : vector<32x1xf32> to vector<32x2048xf32>
    %sub3A_261 = arith.subf %select_n3A_252, %sub3A_260 : vector<32x2048xf32>
    %exp3A_262 = math.exp %sub3A_261 : vector<32x2048xf32>
    %sub3A_263 = vector.broadcast %broadcast_in_dim3A_259 : vector<32x1xf32> to vector<32x2048xf32>
    %sub3A_264 = arith.subf %select_n3A_255, %sub3A_263 : vector<32x2048xf32>
    %exp3A_265 = math.exp %sub3A_264 : vector<32x2048xf32>
    %reduce_sum3A_266 = arith.constant dense<0.000000e+00> : vector<32xf32>
    %reduce_sum3A_267 = vector.multi_reduction <add>, %exp3A_262, %reduce_sum3A_266 [1] : vector<32x2048xf32> to vector<32xf32>
    %broadcast_in_dim3A_268 = vector.shape_cast %reduce_sum3A_267 : vector<32xf32> to vector<32x1xf32>
    %reduce_sum3A_269 = arith.constant dense<0.000000e+00> : vector<32xf32>
    %reduce_sum3A_270 = vector.multi_reduction <add>, %exp3A_265, %reduce_sum3A_269 [1] : vector<32x2048xf32> to vector<32xf32>
    %broadcast_in_dim3A_271 = vector.shape_cast %reduce_sum3A_270 : vector<32xf32> to vector<32x1xf32>
    %add3A_272 = arith.addf %broadcast_in_dim3A_268, %broadcast_in_dim3A_271 : vector<32x1xf32>
    %get3A_273 = arith.constant 12 : index
    %get3A_274 = arith.constant 0 : index
    %get3A_275 = arith.constant 0 : index
    %get3A_276 = vector.load %arg2[%get3A_273, %get3A_274, %get3A_275] : memref<16x8x64xf32, #tpu.memory_space<vmem>>, vector<4x8x64xf32>
    %reshape3A_277 = vector.shape_cast %get3A_276 : vector<4x8x64xf32> to vector<32x64xf32>
    %div3A_278 = vector.broadcast %add3A_272 : vector<32x1xf32> to vector<32x64xf32>
    %div3A_279 = arith.divf %reshape3A_277, %div3A_278 : vector<32x64xf32>
    %concatenate3A_280 = tpu.concatenate %div3A_279, %broadcast_in_dim3A_55 in 1 : vector<32x64xf32>, vector<32x64xf32> -> vector<32x128xf32>
    %concatenate3A_281 = tpu.concatenate %broadcast_in_dim3A_55, %div3A_279 in 1 : vector<32x64xf32>, vector<32x64xf32> -> vector<32x128xf32>
    %dot_general3A_282 = arith.constant dense<0.000000e+00> : vector<2048x128xf32>
    %dot_general3A_283 = tpu.matmul %exp3A_262, %concatenate3A_280, %dot_general3A_282 {dimension_numbers = #tpu.dot_dimension_numbers<[0], [0], [1], [1], [0, 1, 1, 1], [], []>, transpose_lhs_hint = false} : vector<32x2048xf32>, vector<32x128xf32>, vector<2048x128xf32> -> vector<2048x128xf32>
    %dot_general3A_284 = arith.constant dense<0.000000e+00> : vector<2048x128xf32>
    %dot_general3A_285 = tpu.matmul %exp3A_265, %concatenate3A_281, %dot_general3A_284 {dimension_numbers = #tpu.dot_dimension_numbers<[0], [0], [1], [1], [0, 1, 1, 1], [], []>, transpose_lhs_hint = false} : vector<32x2048xf32>, vector<32x128xf32>, vector<2048x128xf32> -> vector<2048x128xf32>
    %add3A_286 = arith.addf %dot_general3A_283, %dot_general3A_285 : vector<2048x128xf32>
    %add3A_287 = arith.addf %reshape3A_235, %add3A_286 : vector<2048x128xf32>
    %reshape3A_288 = vector.shape_cast %add3A_287 : vector<2048x128xf32> to vector<4x512x128xf32>
    %swap3A_289 = arith.constant 12 : index
    %swap3A_290 = arith.constant 0 : index
    %swap3A_291 = arith.constant 0 : index
    %swap3A_292 = vector.load %arg7[%swap3A_289, %swap3A_290, %swap3A_291] : memref<16x512x128xf32, #tpu.memory_space<vmem>>, vector<4x512x128xf32>
    tpu.vector_store %arg7[%swap3A_289, %swap3A_290, %swap3A_291], %reshape3A_288 {strides = array<i32>} : memref<16x512x128xf32, #tpu.memory_space<vmem>>, vector<4x512x128xf32>,
    return
  }
  func.func @transform_0(%arg0: i32) -> (i32, i32, i32) {
    %c0_i32 = arith.constant 0 : i32
    %c0_i32_0 = arith.constant 0 : i32
    %c0_i32_1 = arith.constant 0 : i32
    return %arg0, %c0_i32, %c0_i32_0 : i32, i32, i32
  }
  func.func @transform_1(%arg0: i32) -> (i32, i32, i32) {
    %c0_i32 = arith.constant 0 : i32
    %c0_i32_0 = arith.constant 0 : i32
    %c0_i32_1 = arith.constant 0 : i32
    return %arg0, %c0_i32, %c0_i32_0 : i32, i32, i32
  }
  func.func @transform_2(%arg0: i32) -> (i32, i32, i32) {
    %mul3A = arith.constant 4 : i32
    %mul3A_0 = arith.muli %mul3A, %arg0 : i32
    %add3A = arith.constant 0 : i32
    %add3A_1 = arith.addi %mul3A_0, %add3A : i32
    %c0_i32 = arith.constant 0 : i32
    %c0_i32_2 = arith.constant 0 : i32
    %c0_i32_3 = arith.constant 0 : i32
    return %add3A_1, %c0_i32, %c0_i32_2 : i32, i32, i32
  }
  func.func @transform_3(%arg0: i32) -> (i32, i32, i32) {
    %mul3A = arith.constant 4 : i32
    %mul3A_0 = arith.muli %mul3A, %arg0 : i32
    %add3A = arith.constant 1 : i32
    %add3A_1 = arith.addi %mul3A_0, %add3A : i32
    %c0_i32 = arith.constant 0 : i32
    %c0_i32_2 = arith.constant 0 : i32
    %c0_i32_3 = arith.constant 0 : i32
    return %add3A_1, %c0_i32, %c0_i32_2 : i32, i32, i32
  }
  func.func @transform_4(%arg0: i32) -> (i32, i32, i32) {
    %mul3A = arith.constant 4 : i32
    %mul3A_0 = arith.muli %mul3A, %arg0 : i32
    %add3A = arith.constant 2 : i32
    %add3A_1 = arith.addi %mul3A_0, %add3A : i32
    %c0_i32 = arith.constant 0 : i32
    %c0_i32_2 = arith.constant 0 : i32
    %c0_i32_3 = arith.constant 0 : i32
    return %add3A_1, %c0_i32, %c0_i32_2 : i32, i32, i32
  }
  func.func @transform_5(%arg0: i32) -> (i32, i32, i32) {
    %mul3A = arith.constant 4 : i32
    %mul3A_0 = arith.muli %mul3A, %arg0 : i32
    %add3A = arith.constant 3 : i32
    %add3A_1 = arith.addi %mul3A_0, %add3A : i32
    %c0_i32 = arith.constant 0 : i32
    %c0_i32_2 = arith.constant 0 : i32
    %c0_i32_3 = arith.constant 0 : i32
    return %add3A_1, %c0_i32, %c0_i32_2 : i32, i32, i32
  }
  func.func @transform_6(%arg0: i32) -> (i32, i32, i32) {
    %c0_i32 = arith.constant 0 : i32
    %c0_i32_0 = arith.constant 0 : i32
    %c0_i32_1 = arith.constant 0 : i32
    return %arg0, %c0_i32, %c0_i32_0 : i32, i32, i32
  }
}

</mosaic_0001>

<sc_bundles>
// kernel: sparse-core-data-format-call.cloned.1.call-start
scs
called_computation_lowered:
.L_overlay_start_0:
0x0: {  	s2 =	sld [smem:$0x3FD9]  }
0x1: {  	s3 =	sld [smem:$0x3FFE];
	_ =	sdelay $0x1  }
0x2: {  	s1 =	srdreg.scid  }
0x3: {  	s0 =	sand.u32 $0x1, s1  }
0x4: {  	s18 =	sshll.u32 s0, $0xA;
	s2 =	sadd.s32 s3, s2  }
0x5: {  	s2 =	sadd.s32 s2, s18  }
0x6: {  	[smem:$0x3FBF] =	sst s2  }
0x7: {  	_ = 	snop  }
0x8: {  	s2 =	sld [smem:$0x3FD0];
	(tm) =	ssettm $0x1  }
0x9: {  	s19 =	sld [smem:$0x3FFB];
	_ =	sdelay $0x3  }
0xa: {  	_ =	strace s19  }
0xb: {  	s3 =	sld [smem:$0x3FFC];
	_ =	sdelay $0x3  }
0xc: {  	_ =	strace s3  }
0xd: {  	s3 =	sld [smem:$0x3FFD];
	_ =	sdelay $0x3  }
0xe: {  	_ =	strace s3  }
0xf: {  	_ =	strace $0x8FFFFFFF  }
0x10: {  	s20 =	sld [smem:$0x3FDB];
	_ =	sdelay $0x1  }
0x11: {  	s4 =	simm.s32 $_scs_section_size  }
0x12: {  	s5 =	simm.s32 $_size__tile_overlayer_lowered;
	s6 =	simm.s32 $_tile_overlayer_lowered  }
0x13: {  	s23 =	simm.s32 $0x1BFF;
	s22 =	sshll.u32 s6, $0x1;
	s3 =	sadd.s32 s4, s20  }
0x14: {  	s7 =	simm.s32 $0x0;
	s21 =	sshll.u32 s5, $0x1;
	s5 =	sadd.s32 s22, s3  }
0x15: {  	[timem:s7], [sflag:s23] =	dma.local [hbm:s5], s21  }
0x16: {  	_ =	swait.ge [sflag:s23], s21  }
0x17: {  	s4 =	ssub.s32 $0x0, s21;
	[sflag:s23] =	ssyncset.done $0x0  }
0x18: {  	[sflag:s23] =	ssyncadd.s32 s4;
	_ =	sdelay $0x1  }
0x19: {  	s24 =	simm.s32 $0x1B8B  }
0x1a: {  	_ =	swait.ge [sflag:s24], $0x1  }
0x1b: {  	[sflag:s24] =	ssyncset.done $0x0  }
0x1c: {  	s26 =	simm.s32 $0x1B8E;
	s25 =	sld [smem:$0x3FFE];
	[sflag:s24] =	ssyncadd.s32 $0xFFFFFFFF  }
0x1d: {  	s27 =	simm.s32 $execute0_lowered;
	[smem:$0x3FD2] =	sst s26  }
0x1e: {  	s5 =	sshll.u32 s27, $0x1;
	_ =	strace $0x80000046;
	[dreg:$0x1] =	wrdreg $0xFFFFFFFF  }
0x1f: {  	s28 =	simm.s32 $_size_execute0_lowered;
	s3 =	sadd.s32 s3, s5;
	[dreg:$0x0] =	wrdreg $0x0  }
0x20: {  	s5 =	sshll.u32 s28, $0x1;
	[dreg:$0x2] =	wrdreg s3  }
0x21: {  	[dreg:$0x3] =	wrdreg s5  }
0x22: {  	[dreg:$0x4] =	wrdreg $0xC0  }
0x23: {  	_ =	task [dreg:s7], $0x5FFFF  }
0x24: {  	[dreg:$0x1] =	wrdreg $0xFFFFFFFF  }
0x25: {  	[dreg:$0x0] =	wrdreg $0x60  }
0x26: {  	[dreg:$0x2] =	wrdreg s25  }
0x27: {  	[dreg:$0x3] =	wrdreg s2  }
0x28: {  	[dreg:$0x4] =	wrdreg $0x9  }
0x29: {  	_ =	task.clear_ibuf [dreg:s7], $0x5FFFF;
	_ =	strace $0x90000046  }
0x2a: {  	s29 =	simm.s32 $0x9;
	_ =	strace $0x80000048  }
0x2b: {  	_ =	swait.ge [sflag:s29], $0x1  }
0x2c: {  	[sflag:s29] =	ssyncadd.s32 $0xFFFFFFFF  }
0x2d: {  	_ =	strace $0x90000048  }
0x2e: {  	_ =	sfence  }
0x2f: {  	s30 =	sld [smem:$0x0];
	_ =	sdelay $0x2  }
0x30: {  	s31 =	sshll.u32 s1, $0xD;
	s1 =	sshrl.u32 s1, $0x2  }
0x31: {  	s3 =	sand.u32 $0x4000, s31;
	s1 =	sadd.s32 s1, s30  }
0x32: {  	s0 =	sor.u32 s3, s0;
	s1 =	sshll.u32 s1, $0x11  }
0x33: {  	s0 =	sor.u32 s1, s0  }
0x34: {  	s0 =	sadd.s32 $0x8F2B, s0  }
0x35: {  	[sflag:s0] =	ssyncadd.remote.s32 $0x1  }
0x36: {  	_ =	sfence.sel $0xFFFF  }
0x37: {  	[dreg:$0x0] =	wrdreg $0xFFFFFFFF;
	(pc) =	sbr.abs _section_cstart, $3  }
0x38: {  	[dreg:$0x1] =	wrdreg $0xFFFFFFFF  }
0x39: {  	_ =	task.clear_ibuf [dreg:s7], $0x2FFFF;
	_ =	strace $0x9FFFFFFF  }
0x3a: {  	(tm) =	ssettm $0x7FFFFFFF  }
0x3b: {  	_ =	shalt  }
tec
execute0_lowered:
.L_overlay_start_1:
0x0: {  	(tag) =	ssettag $0x1  }
0x1: {  	s4 =	rddreg [dreg:$0x0]  }
0x2: {  	s0 =	stileid.u32;
	s2 =	rddreg [dreg:$0x1]  }
0x3: {  	s1 =	rddreg [dreg:$0x2];
	_ =	strace $0x80000047;
	s5 =	srdreg.scid  }
0x4: {  	s31 =	simm.s32 $0x2;
	s14 =	simm.s32 $0x0;
	s9 =	simm.s32 $0x10000  }
0x5: {  	s16 =	simm.s32 $0x0;
	s15 =	simm.s32 $0x0;
	s3 =	sshll.u32 s0, $0x7  }
0x6: {  	s10 =	simm.s32 $0x0;
	s5 =	sshll.u32 s5, $0x4;
	s3 =	sand.u32 $0x380, s3  }
0x7: {  	s13 =	simm.s32 $0x0;
	s5 =	sand.u32 $0x10, s5;
	s6 =	ssub.s32 $0x400, s3  }
0x8: {  	s4 =	sadd.s32 $0xE00, s4;
	s5 =	sor.u32 s0, s5;
	s7 =	sand.u32 $0x380, s6  }
.Ltmp0:
0x9: {  	p0 =	sne.s32 s7, $0x0;
	s7 =	simm.s32 $0x1;
	(pc) =	sbr.rel .LBB1_1-.Ltmp0, $4  }
0xa: {  	s12 =	smov.u32 s3;
	s8 =	sshrl.u32 s6, $0xA;
	s7 =	simm.s32 @!p0 $0x0  }
0xb: {  	s5 =	sshrl.u32 s5, $0x3;
	s6 =	simm.s32 $0x1;
	s7 =	sadd.s32 s7, s8  }
0xc: {  	[sflag:s6] =	ssyncpa.u1 $0x0;
	s11 =	smov.u32 s5;
	s7 =	sshll.u32 s7, $0x7  }
0xd: {  	[sflag:s31] =	ssyncpa.u1 $0x0;
	p0 =	por $0x0, $0x0;
	s8 =	sor.u32 $0x1, s7  }
.LBB1_4:
0xe: {  	v5 =	vld [tilespmem:s20+$0xFFFFFFD0];
	[tilespmem:s19+$0x2040 ss:$0x81] =	vst.msk $0xffff, v1  }
0xf: {  	v58 =	vld [tilespmem:s20+$0xFFFFFFE0];
	[tilespmem:s19+$0x2850 ss:$0x81] =	vst.msk $0xffff, v2  }
0x10: {  	s21 =	sshra.s32 s21, $0x2;
	v59 =	vld [tilespmem:s20+$0xFFFFFFF0];
	[tilespmem:s19+$0x3060 ss:$0x81] =	vst.msk $0xffff, v3  }
0x11: {  	v60 =	vld [tilespmem:s20+$0x0];
	[tilespmem:s19+$0x0 ss:$0x81] =	vst.msk $0xffff, v0;
	s18 =	sadd.s32 s21, s18  }
0x12: {  	v61 =	vld [tilespmem:s20+$0x10];
	[tilespmem:s18+$0x3870 ss:$0x81] =	vst.msk $0xffff, v4  }
0x13: {  	v62 =	vld [tilespmem:s20+$0x20];
	s26 =	sshll.u32 s16, $0xA;
	s27 =	sshll.u32 s15, $0x3;
	[tilespmem:s18+$0x810 ss:$0x81] =	vst.msk $0xffff, v5  }
0x14: {  	v63 =	vld [tilespmem:s20+$0xFFFFFFC0];
	s29 =	sshll.u32 s16, $0x7;
	s30 =	sand.u32 $0x78, s15;
	s14 =	sshll.u32 s14, $0xD;
	[tilespmem:s18+$0x1020 ss:$0x81] =	vst.msk $0xffff, v58  }
0x15: {  	s19 =	sand.u32 $0xE000, s26;
	s28 =	sand.u32 $0xFC00, s27;
	s16 =	sand.u32 $0x380, s29;
	[tilespmem:s18+$0x1830 ss:$0x81] =	vst.msk $0xffff, v59  }
0x16: {  	s31 =	sand.u32 $0x7, s15;
	s19 =	sadd.s32 s28, s19;
	s16 =	sor.u32 s30, s16;
	[tilespmem:s18+$0x2040 ss:$0x81] =	vst.msk $0xffff, v60  }
0x17: {  	s14 =	sadd.s32 s2, s14;
	s19 =	sshrl.u32 s19, $0x3;
	s16 =	sshrl.u32 s16, $0x3;
	[tilespmem:s18+$0x2850 ss:$0x81] =	vst.msk $0xffff, v61  }
0x18: {  	s15 =	sshll.u32 s31, $0x12;
	s19 =	sand.u32 $0x1F80, s19;
	s14 =	sadd.s32 s16, s14;
	[tilespmem:s18+$0x3060 ss:$0x81] =	vst.msk $0xffff, v62  }
0x19: {  	s15 =	sor.u32 $0x80, s15;
	[tilespmem:s18+$0x0 ss:$0x81] =	vst.msk $0xffff, v63;
	s14 =	sadd.s32 s19, s14  }
0x1a: {  	[hbm4b:s14+s15] =	stream.strided.scatter [tilespmem:s17], [sflag:$0x2], $0x4000, s9, s15, $0x20;
	[tilespmem:$0x10100] =	vst v63  }
.LBB1_5:
0x1b: {  	s17 =	sadd.s32 $0x80, s10  }
0x1c: {  	s14 =	sadd.s32 $0x4, s11;
	s18 =	smov.u32 s11;
	p2 =	sgt.s32 s17, $0x3FF  }
0x1d: {  	s18 =	smov.u32 @p2 s14  }
0x1e: {  	s20 =	smov.u32 s12;
	s14 =	sadd.s32 $0x400, s12;
	p3 =	sgt.s32 s18, $0x3F  }
0x1f: {  	s20 =	smov.u32 @p3 s14  }
0x20: {  	s17 =	simm.s32 @p2 $0x0;
	p2 =	sgt.s32 s20, $0x3FF  }
0x21: {  	p1 =	slt.u32 s13, $0x2;
	s20 =	smov.u32 @p2 s3;
	p2 =	sne.s32 s13, s8  }
.Ltmp1:
0x22: {  	s19 =	simm.s32 @!p1 $0x2;
	(pc) =	sbr.rel @!p2 .LBB1_6-.Ltmp1, $4  }
0x23: {  	s16 =	smov.u32 s11;
	s15 =	smov.u32 s12;
	_ =	swait.ge @!p1 [sflag:s19], $0x4000  }
0x24: {  	p0 =	por !p0, !p0;
	[sflag:s19] =	ssyncset.done @!p1 $0x0;
	s18 =	smov.u32 @p3 s5  }
0x25: {  	s14 =	smov.u32 s10;
	[sflag:s19] =	ssyncadd.s32 @!p1 $0xFFFFC000;
	s10 =	smov.u32 s17  }
0x26: {  	s11 =	smov.u32 s18;
	s13 =	sadd.s32 $0x1, s13;
	s12 =	smov.u32 s20  }
.LBB1_1:
0x27: {  	p1 =	sge.u32 s13, s7  }
0x28: {  	s31 =	sadd.s32 $0xFFFFFFFF, s13;
	s17 =	sshll.u32 @!p1 s11, $0x7  }
0x29: {  	s18 =	sxor.u32 @!p1 $0xFFFFFFFF, s13;
	s19 =	sand.u32 @!p1 $0x78, s10;
	s20 =	sand.u32 @!p1 $0x380, s17  }
0x2a: {  	s18 =	sshll.u32 @!p1 s18, $0xE;
	s19 =	sor.u32 @!p1 s19, s20;
	s20 =	sshll.u32 @!p1 s12, $0xD  }
0x2b: {  	s17 =	sand.u32 @!p1 $0x1C00, s17;
	s19 =	sshrl.u32 @!p1 s19, $0x3;
	s20 =	sadd.s32 @!p1 s4, s20  }
0x2c: {  	s17 =	sadd.s32 @!p1 s10, s17;
	s19 =	sadd.s32 @!p1 s19, s20;
	s20 =	sand.u32 @!p1 $0x7, s10  }
0x2d: {  	s18 =	sand.u32 @!p1 $0x4000, s18;
	s17 =	sand.u32 @!p1 $0x1F80, s17;
	s20 =	sshll.u32 @!p1 s20, $0x12  }
0x2e: {  	s17 =	sadd.s32 @!p1 s17, s19;
	s19 =	sor.u32 @!p1 $0x80, s20;
	s20 =	simm.s32 @!p1 $0x10000  }
0x2f: {  	[tilespmem:s18], [sflag:$0x1] =	stream.strided.gather @!p1 [hbm4b:s17+s19], $0x4000, s20, s19, $0x38;
	[tilespmem:$0x10100] =	vst v63  }
0x30: {  	p1 =	sge.u32 s31, s7  }
.Ltmp2:
0x31: {  	_ = 	snop;
	(pc) =	sbr.rel @p1 .LBB1_5-.Ltmp2, $1  }
0x32: {  	_ =	sdelay $0x3  }
0x33: {  	s17 =	simm.s32 $0x1  }
0x34: {  	_ =	swait.ge [sflag:s6], $0x4000;
	s17 =	simm.s32 @!p0 $0x0  }
0x35: {  	[sflag:s6] =	ssyncset.done $0x0;
	s18 =	sshll.u32 s17, $0xE  }
0x36: {  	[sflag:s6] =	ssyncadd.s32 $0xFFFFC000;
	s20 =	sor.u32 $0x40, s18  }
0x37: {  	s17 =	smul.u32 $0x10200, s17;
	v0 =	vld [tilespmem:s20+$0x30]  }
0x38: {  	v3 =	vld [tilespmem:s20+$0xFFFFFFD0]  }
0x39: {  	s17 =	sshrl.u32 s17, $0x2;
	v4 =	vld [tilespmem:s20+$0xFFFFFFE0]  }
0x3a: {  	v5 =	vld [tilespmem:s20+$0xFFFFFFF0];
	s18 =	sor.u32 $0x8000, s17  }
0x3b: {  	s31 =	sand.u32 $0x1, s13;
	v1 =	vld [tilespmem:s20+$0x0];
	s19 =	sadd.s32 $0x0, s18  }
0x3c: {  	v2 =	vld [tilespmem:s20+$0x10];
	s17 =	smul.u32 $0x10200, s31;
	[tilespmem:s19+$0x3870 ss:$0x81] =	vst.msk $0xffff, v0  }
0x3d: {  	[tilespmem:s19+$0x810 ss:$0x81] =	vst.msk $0xffff, v3;
	v3 =	vld [tilespmem:s20+$0x20]  }
0x3e: {  	s17 =	sshrl.u32 s17, $0x2;
	v0 =	vld [tilespmem:s20+$0xFFFFFFC0];
	[tilespmem:s19+$0x1020 ss:$0x81] =	vst.msk $0xffff, v4;
	s20 =	sadd.s32 $0x80, s20  }
0x3f: {  	s21 =	simm.s32 $0x4;
	s22 =	simm.s32 $0x8;
	s17 =	sor.u32 $0x8000, s17;
	[tilespmem:s19+$0x1830 ss:$0x81] =	vst.msk $0xffff, v5;
	v4 =	vld [tilespmem:s20+$0x30]  }
.LBB1_3:
0x40: {  	p1 =	sne.s32 s22, $0x1FC;
	v5 =	vld [tilespmem:s20+$0xFFFFFFD0];
	[tilespmem:s19+$0x2040 ss:$0x81] =	vst.msk $0xffff, v1  }
0x41: {  	v6 =	vld [tilespmem:s20+$0xFFFFFFE0];
	[tilespmem:s19+$0x2850 ss:$0x81] =	vst.msk $0xffff, v2  }
0x42: {  	s23 =	sshra.s32 s21, $0x2;
	s21 =	smov.u32 s22;
	v7 =	vld [tilespmem:s20+$0xFFFFFFF0];
	[tilespmem:s19+$0x3060 ss:$0x81] =	vst.msk $0xffff, v3  }
.Ltmp3:
0x43: {  	v1 =	vld [tilespmem:s20+$0x0];
	[tilespmem:s19+$0x0 ss:$0x81] =	vst.msk $0xffff, v0;
	s19 =	sadd.s32 s23, s18;
	(pc) =	sbr.rel @p1 .LBB1_3-.Ltmp3, $4  }
0x44: {  	v2 =	vld [tilespmem:s20+$0x10];
	[tilespmem:s19+$0x3870 ss:$0x81] =	vst.msk $0xffff, v4  }
0x45: {  	[tilespmem:s19+$0x810 ss:$0x81] =	vst.msk $0xffff, v5;
	v3 =	vld [tilespmem:s20+$0x20]  }
0x46: {  	v0 =	vld [tilespmem:s20+$0xFFFFFFC0];
	[tilespmem:s19+$0x1020 ss:$0x81] =	vst.msk $0xffff, v6;
	s20 =	sadd.s32 $0x80, s20  }
0x47: {  	s22 =	sadd.s32 $0x4, s22;
	v4 =	vld [tilespmem:s20+$0x30];
	[tilespmem:s19+$0x1830 ss:$0x81] =	vst.msk $0xffff, v7  }
.Ltmp4:
0x48: {  	_ = 	snop;
	(pc) =	sbr.rel .LBB1_4-.Ltmp4, $1  }
0x49: {  	_ =	sdelay $0x3  }
.LBB1_6:
0x4a: {  	_ =	sfence.sel $0x180000  }
0x4b: {  	s2 =	simm.s32 $0x1;
	[bflag:$0x0] =	sbarrier.arrive $0xFFFF  }
0x4c: {  	s31 =	simm.s32 $0x2;
	[sflag:s2] =	ssyncpa.u1 $0x1  }
0x4d: {  	[sflag:s31] =	ssyncpa.u1 $0x1  }
0x4e: {  	p0 =	sne.s32 s0, $0x0;
	_ =	strace $0x90000047  }
0x4f: {  	s0 =	sadd.s32 @!p0 $0x100000, s1;
	[bflag:$0x2] =	sbarrier.arrive $0xFFFF  }
0x50: {  	[sflag:s0] =	ssyncadd.tile.s32 @!p0 $0x1;
	_ =	shalt  }
.Lfunc_end1:
_tile_overlayer_lowered:
.L_overlay_start_2:
0x51: {  	(tag) =	ssettag $0x2  }
0x52: {  	s0 =	rddreg [dreg:$0x0];
	s2 =	stileid.u32  }
0x53: {  	s1 =	rddreg [dreg:$0x1];
	p0 =	sne.s32 s2, $0x0  }
0x54: {  	s3 =	rddreg [dreg:$0x2];
	[bflag:$0x3] =	sbarrier.arrive $0xFFFF;
	s2 =	simm.s32 @!p0 $0x1C01  }
0x55: {  	[timem:s3], [sflag:s2] =	dma.local @!p0 [hbm:s0], s1  }
0x56: {  	s0 =	simm.s32 @!p0 $0x1  }
0x57: {  	_ =	swait.ge @!p0 [sflag:s0], s1  }
0x58: {  	s1 =	ssub.s32 @!p0 $0x0, s1;
	[sflag:s0] =	ssyncset.done @!p0 $0x0  }
0x59: {  	[sflag:s0] =	ssyncadd.s32 @!p0 s1  }
0x5a: {  	[bflag:$0x3] =	sbarrier.arrive $0xFFFF  }
0x5b: {  	_ =	shalt  }

</sc_bundles>
